<compile_context>
chip_gen: v7x
topology: tpu7x:2x2x1
jax: 0.10.2.dev20260603
libtpu: 0.0.44.dev20260713+nightly
codegen_flags: <defaults>
</compile_context>

<pallas_src>
import functools

import jax
import jax.numpy as jnp
from jax import lax
from jax.experimental import pallas as pl
from jax.experimental.pallas import tpu as pltpu
from jax.experimental.pallas import tpu_sc as plsc

NC, NS = 2, 16
CT = 80


def _sc_cat_sum(tables_flat, idx_chunks, n_tokens, V):
    FV, D = tables_flat.shape
    _, _, n_chunks, F2, _ = idx_chunks.shape
    tpw = n_tokens // NS
    mesh = plsc.VectorSubcoreMesh(
        core_axis_name="c", subcore_axis_name="s", num_cores=NC, num_subcores=NS
    )

    @functools.partial(
        pl.kernel,
        out_type=jax.ShapeDtypeStruct((NC, n_tokens, D), jnp.float32),
        mesh=mesh,
        scratch_types=[
            pltpu.VMEM_SHARED((F2 * V, D), jnp.float32),
            pltpu.VMEM((F2, CT), jnp.int32),
            pltpu.VMEM((F2, CT), jnp.int32),
            pltpu.VMEM((CT, D), jnp.float32),
            pltpu.VMEM((CT, D), jnp.float32),
            pltpu.SemaphoreType.DMA,
            pltpu.SemaphoreType.DMA,
            pltpu.SemaphoreType.DMA,
            pltpu.SemaphoreType.DMA,
        ],
    )
    def k(tab_hbm, idx_hbm, out_hbm, shared, idxA, idxB, accA, accB,
          sem_f0, sem_g, sem_idx, sem_out):
        cid = lax.axis_index("c")
        sid = lax.axis_index("s")

        @pl.when(sid < F2)
        def _():
            pltpu.sync_copy(
                tab_hbm.at[pl.ds(cid * F2 * V + sid * V, V)],
                shared.at[pl.ds(sid * V, V)],
            )

        plsc.subcore_barrier()

        pltpu.sync_copy(idx_hbm.at[cid, sid, 0], idxA)
        pltpu.async_copy(shared.at[idxA.at[0]], accA, sem_f0)

        def half(c, idxP, accP, idxQ, accQ):
            base = sid * tpw + c * CT
            pltpu.make_async_copy(shared.at[idxP.at[0]], accP, sem_f0).wait()

            def fire(f, carry):
                pltpu.async_copy(shared.at[idxP.at[f]], accP, sem_g, add=True)
                return carry

            lax.fori_loop(1, F2, fire, 0)

            @pl.when(c + 1 < n_chunks)
            def _():
                pltpu.async_copy(idx_hbm.at[cid, sid, c + 1], idxQ, sem_idx)

            @pl.when(c >= 1)
            def _():
                pltpu.make_async_copy(
                    accQ, out_hbm.at[cid, pl.ds(0, CT)], sem_out).wait()

            def drain(f, carry):
                pltpu.make_async_copy(
                    shared.at[idxP.at[0]], accP, sem_g).wait()
                return carry

            lax.fori_loop(1, F2, drain, 0)
            pltpu.async_copy(accP, out_hbm.at[cid, pl.ds(base, CT)], sem_out)

            @pl.when(c + 1 < n_chunks)
            def _():
                pltpu.make_async_copy(
                    idx_hbm.at[cid, sid, 0], idxQ, sem_idx).wait()
                pltpu.async_copy(shared.at[idxQ.at[0]], accQ, sem_f0)

        def pair(i, carry):
            half(2 * i, idxA, accA, idxB, accB)
            half(2 * i + 1, idxB, accB, idxA, accA)
            return carry

        lax.fori_loop(0, n_chunks // 2, pair, 0)
        pltpu.make_async_copy(
            accB, out_hbm.at[0, pl.ds(0, CT)], sem_out).wait()

    return k(tables_flat, idx_chunks)


def _tc_dense(x_reals, W_real, b_real, pe_s, cat_sum):
    B, S, R = x_reals.shape
    D = W_real.shape[0]
    BB = 8

    def body(x_ref, w_ref, b_ref, pe_ref, cat_ref, o_ref):
        x = x_ref[...].reshape(BB * S, R)
        y = lax.dot_general(
            x, w_ref[...], (((1,), (1,)), ((), ())),
            preferred_element_type=jnp.float32,
        )
        cat = cat_ref[0] + cat_ref[1]
        o_ref[...] = y.reshape(BB, S, D) + b_ref[...] + pe_ref[...] + cat

    return pl.pallas_call(
        body,
        grid=(B // BB,),
        in_specs=[
            pl.BlockSpec((BB, S, R), lambda i: (i, 0, 0)),
            pl.BlockSpec((D, R), lambda i: (0, 0)),
            pl.BlockSpec((D,), lambda i: (0,)),
            pl.BlockSpec((S, D), lambda i: (0, 0)),
            pl.BlockSpec((NC, BB, S, D), lambda i: (0, i, 0, 0)),
        ],
        out_specs=pl.BlockSpec((BB, S, D), lambda i: (i, 0, 0)),
        out_shape=jax.ShapeDtypeStruct((B, S, D), jnp.float32),
    )(x_reals, W_real, b_real, pe_s, cat_sum)


def kernel(x_reals, x_cats, W_real, b_real, tables, pe):
    B, S, R = x_reals.shape
    F, V, D = tables.shape
    F2 = F // 2
    n_tokens = B * S
    tpw = n_tokens // NS
    n_chunks = tpw // CT

    tables_flat = tables.reshape(F * V, D)
    idx = x_cats.reshape(n_tokens, F) + (jnp.arange(F, dtype=jnp.int32) % F2) * V
    idx_chunks = (
        idx.T.reshape(NC, F2, NS, n_chunks, CT).transpose(0, 2, 3, 1, 4)
    )

    cat_sum = _sc_cat_sum(tables_flat, idx_chunks, n_tokens, V)
    pe_s = pe[0, :S]
    return _tc_dense(x_reals, W_real, b_real, pe_s,
                     cat_sum.reshape(NC, B, S, D))

# --- scband reference (transcript-rebuilt; emitter-appended) ---
"""Pipeline reference for scband-data-embedding-31001073943358 (READ-ONLY COPY).

The authoritative reference and input builder live on the scoring server;
editing this copy changes nothing except your own understanding.
"""

import jax, jax.numpy as jnp
import numpy as np

B, S, R, F, V, D = 1024, 200, 32, 26, 1000, 128
MAX_LEN = 1000


def _sinusoidal_pe(max_length, d_model):
    pos = np.arange(max_length)[:, None].astype(np.float64)
    div = np.exp(np.arange(0, d_model, 2).astype(np.float64) * -(np.log(10000.0) / d_model))
    pe = np.zeros((max_length, d_model), dtype=np.float32)
    pe[:, 0::2] = np.sin(pos * div)
    pe[:, 1::2] = np.cos(pos * div)
    return jnp.asarray(pe)[None]  # [1, max_length, d_model]


def setup_inputs(seed: int = 0) -> dict:
    key = jax.random.key(seed)
    k0, k1, k2, k3 = jax.random.split(key, 4)
    x_reals = jax.random.normal(k0, (B, S, R), dtype=jnp.float32)
    x_cats = jax.random.randint(k1, (B, S, F), 0, V, dtype=jnp.int32)
    W_real = jax.random.normal(k2, (D, R), dtype=jnp.float32) * (1.0 / np.sqrt(R))
    b_real = jnp.zeros((D,), dtype=jnp.float32)
    tables = jax.random.normal(k3, (F, V, D), dtype=jnp.float32) * 0.02
    pe = _sinusoidal_pe(MAX_LEN, D)
    return {"x_reals": x_reals, "x_cats": x_cats, "W_real": W_real, "b_real": b_real, "tables": tables, "pe": pe}


def reference(x_reals, x_cats, W_real, b_real, tables, pe):
    # RealEmbedding: Linear(real_size -> d_model)
    out = jnp.einsum('bsr,dr->bsd', x_reals, W_real) + b_real
    # CategoricalEmbedding: sum over per-field embedding lookups
    def gather(table, idx):
        return jnp.take(table, idx, axis=0)  # [B, S, D]
    cat_emb = jax.vmap(gather, in_axes=(0, 2))(tables, x_cats)  # [F, B, S, D]
    out = out + jnp.sum(cat_emb, axis=0)
    # SinusoidalPositionEmbedding buffer (broadcast over batch)
    out = out + pe[:, :x_reals.shape[1]]
    # Dropout(p=0.0) == identity in eval
    return out

if __name__ == "__main__":
    import jax
    _d = setup_inputs()
    print(jax.jit(kernel)(*tuple(_d.values())))

</pallas_src>

<mosaic_0001>
#map = affine_map<(d0, d1) -> (0, 0)>
#map1 = affine_map<(d0, d1) -> (0, 0, 0, 0, 0)>
#map2 = affine_map<(d0, d1) -> (0, 0, 0)>
module attributes {stable_mosaic.version = 14 : i64} {
  func.func @k(%arg0: i32, %arg1: i32, %arg2: memref<26000x128xf32, #tpu.memory_space<hbm>>, %arg3: memref<2x16x160x13x80xi32, #tpu.memory_space<hbm>>, %arg4: memref<2x204800x128xf32, #tpu.memory_space<hbm>>, %arg5: memref<13000x128xf32, #tpu.memory_space<vmem_shared>>, %arg6: memref<13x80xi32, #tpu.memory_space<vmem>>, %arg7: memref<13x80xi32, #tpu.memory_space<vmem>>, %arg8: memref<80x128xf32, #tpu.memory_space<vmem>>, %arg9: memref<80x128xf32, #tpu.memory_space<vmem>>, %arg10: memref<!tpu.dma_semaphore, #tpu.memory_space<semaphore_mem>>, %arg11: memref<!tpu.dma_semaphore, #tpu.memory_space<semaphore_mem>>, %arg12: memref<!tpu.dma_semaphore, #tpu.memory_space<semaphore_mem>>, %arg13: memref<!tpu.dma_semaphore, #tpu.memory_space<semaphore_mem>>) attributes {dimension_semantics = [#tpu.dimension_semantics<core_parallel>, #tpu.dimension_semantics<subcore_parallel>], iteration_bounds = array<i64: 2, 16>, scalar_prefetch = 0 : i64, scratch_operands = 9 : i64, tpu.core_type = #tpu.core_type<sc_vector_subcore>, window_params = [{transform_indices = #map}, {transform_indices = #map1}, {transform_indices = #map2}]} {
    %lt3A = arith.constant 13 : i32
    %lt3A_0 = arith.cmpi slt, %arg1, %lt3A : i32
    %convert_element_type3A = arith.extui %lt3A_0 : i1 to i32
    %cond3A = arith.constant 0 : i32
    %cond3A_1 = arith.cmpi ne, %convert_element_type3A, %cond3A : i32
    scf.if %cond3A_1 {
      %mul3A = arith.constant 13 : i32
      %mul3A_21 = arith.muli %arg0, %mul3A : i32
      %mul3A_22 = arith.constant 1000 : i32
      %mul3A_23 = arith.muli %mul3A_21, %mul3A_22 : i32
      %mul3A_24 = arith.constant 1000 : i32
      %mul3A_25 = arith.muli %arg1, %mul3A_24 : i32
      %add3A = arith.addi %mul3A_23, %mul3A_25 : i32
      %mul3A_26 = arith.constant 1000 : i32
      %mul3A_27 = arith.muli %arg1, %mul3A_26 : i32
      "tpu.region"() ({
        %run_scoped3A_28 = tpu.sem_alloc : memref<!tpu.dma_semaphore, #tpu.memory_space<semaphore_mem>>
        %dma_start3A_29 = arith.constant 0 : i32
        %dma_start3A_30 = tpu.memref_slice %arg5[%mul3A_27, %dma_start3A_29] : memref<13000x128xf32, #tpu.memory_space<vmem_shared>> -> memref<1000x128xf32, #tpu.memory_space<vmem_shared>>
        %dma_start3A_31 = arith.constant 0 : i32
        %dma_start3A_32 = tpu.memref_slice %arg2[%add3A, %dma_start3A_31] : memref<26000x128xf32, #tpu.memory_space<hbm>> -> memref<1000x128xf32, #tpu.memory_space<hbm>>
        tpu.enqueue_dma source(%dma_start3A_32 : memref<1000x128xf32, #tpu.memory_space<hbm>>) target(%dma_start3A_30 : memref<1000x128xf32, #tpu.memory_space<vmem_shared>>) target_semaphore(%run_scoped3A_28 : memref<!tpu.dma_semaphore, #tpu.memory_space<semaphore_mem>>)
        %dma_wait3A_33 = arith.constant 0 : i32
        %dma_wait3A_34 = tpu.memref_slice %arg5[%mul3A_27, %dma_wait3A_33] : memref<13000x128xf32, #tpu.memory_space<vmem_shared>> -> memref<1000x128xf32, #tpu.memory_space<vmem_shared>>
        %dma_wait3A_35 = arith.constant 0 : i32
        %dma_wait3A_36 = tpu.memref_slice %arg2[%add3A, %dma_wait3A_35] : memref<26000x128xf32, #tpu.memory_space<hbm>> -> memref<1000x128xf32, #tpu.memory_space<hbm>>
        tpu.wait_dma2 semaphore(%run_scoped3A_28 : memref<!tpu.dma_semaphore, #tpu.memory_space<semaphore_mem>>) src(%dma_wait3A_36 : memref<1000x128xf32, #tpu.memory_space<hbm>>) dst(%dma_wait3A_34 : memref<1000x128xf32, #tpu.memory_space<vmem_shared>>)
        tpu.yield
      }) : () -> ()
    } else {
    }
    %barrier3A = arith.constant 0 : index
    tpu.barrier barrier_id(%barrier3A)
    %run_scoped3A = arith.constant 0 : i32
    "tpu.region"() ({
      %run_scoped3A_21 = tpu.sem_alloc : memref<!tpu.dma_semaphore, #tpu.memory_space<semaphore_mem>>
      %dma_start3A_22 = arith.constant 0 : i32
      %dma_start3A_23 = arith.constant 0 : i32
      %dma_start3A_24 = tpu.memref_slice %arg3[%arg0, %arg1, %run_scoped3A, %dma_start3A_22, %dma_start3A_23] : memref<2x16x160x13x80xi32, #tpu.memory_space<hbm>> -> memref<1x1x1x13x80xi32, #tpu.memory_space<hbm>>
      %dma_start3A_25 = tpu.memref_squeeze %dma_start3A_24 : memref<1x1x1x13x80xi32, #tpu.memory_space<hbm>> -> memref<13x80xi32, #tpu.memory_space<hbm>>
      %dma_start3A_26 = arith.constant 0 : i32
      %dma_start3A_27 = arith.constant 0 : i32
      %dma_start3A_28 = tpu.memref_slice %arg3[%arg0, %arg1, %run_scoped3A, %dma_start3A_26, %dma_start3A_27] : memref<2x16x160x13x80xi32, #tpu.memory_space<hbm>> -> memref<1x1x1x13x80xi32, #tpu.memory_space<hbm>>
      %dma_start3A_29 = tpu.memref_squeeze %dma_start3A_28 : memref<1x1x1x13x80xi32, #tpu.memory_space<hbm>> -> memref<13x80xi32, #tpu.memory_space<hbm>>
      tpu.enqueue_dma source(%dma_start3A_29 : memref<13x80xi32, #tpu.memory_space<hbm>>) target(%arg6 : memref<13x80xi32, #tpu.memory_space<vmem>>) target_semaphore(%run_scoped3A_21 : memref<!tpu.dma_semaphore, #tpu.memory_space<semaphore_mem>>)
      %dma_wait3A_30 = arith.constant 0 : i32
      %dma_wait3A_31 = arith.constant 0 : i32
      %dma_wait3A_32 = tpu.memref_slice %arg3[%arg0, %arg1, %run_scoped3A, %dma_wait3A_30, %dma_wait3A_31] : memref<2x16x160x13x80xi32, #tpu.memory_space<hbm>> -> memref<1x1x1x13x80xi32, #tpu.memory_space<hbm>>
      %dma_wait3A_33 = tpu.memref_squeeze %dma_wait3A_32 : memref<1x1x1x13x80xi32, #tpu.memory_space<hbm>> -> memref<13x80xi32, #tpu.memory_space<hbm>>
      %dma_wait3A_34 = arith.constant 0 : i32
      %dma_wait3A_35 = arith.constant 0 : i32
      %dma_wait3A_36 = tpu.memref_slice %arg3[%arg0, %arg1, %run_scoped3A, %dma_wait3A_34, %dma_wait3A_35] : memref<2x16x160x13x80xi32, #tpu.memory_space<hbm>> -> memref<1x1x1x13x80xi32, #tpu.memory_space<hbm>>
      %dma_wait3A_37 = tpu.memref_squeeze %dma_wait3A_36 : memref<1x1x1x13x80xi32, #tpu.memory_space<hbm>> -> memref<13x80xi32, #tpu.memory_space<hbm>>
      tpu.wait_dma2 semaphore(%run_scoped3A_21 : memref<!tpu.dma_semaphore, #tpu.memory_space<semaphore_mem>>) src(%dma_wait3A_37 : memref<13x80xi32, #tpu.memory_space<hbm>>) dst(%arg6 : memref<13x80xi32, #tpu.memory_space<vmem>>)
      tpu.yield
    }) : () -> ()
    %dma_start3A = arith.constant 0 : i32
    %dma_start3A_2 = arith.constant 0 : i32
    %dma_start3A_3 = tpu.memref_slice %arg6[%dma_start3A, %dma_start3A_2] : memref<13x80xi32, #tpu.memory_space<vmem>> -> memref<1x80xi32, #tpu.memory_space<vmem>>
    %dma_start3A_4 = tpu.memref_squeeze %dma_start3A_3 : memref<1x80xi32, #tpu.memory_space<vmem>> -> memref<80xi32, #tpu.memory_space<vmem>>
    %dma_start3A_5 = arith.constant 0 : i32
    %dma_start3A_6 = arith.constant 0 : i32
    %dma_start3A_7 = tpu.memref_slice %arg5[%dma_start3A_5, %dma_start3A_6] : memref<13000x128xf32, #tpu.memory_space<vmem_shared>> -> memref<13000x128xf32, #tpu.memory_space<vmem_shared>>
    tpu.enqueue_indirect_dma source(%dma_start3A_7 : memref<13000x128xf32, #tpu.memory_space<vmem_shared>>) target(%arg8 : memref<80x128xf32, #tpu.memory_space<vmem>>) offsets(%dma_start3A_4 : memref<80xi32, #tpu.memory_space<vmem>>) semaphore(%arg10 : memref<!tpu.dma_semaphore, #tpu.memory_space<semaphore_mem>>)
    %scan3A = arith.constant 0 : i32
    %scan3A_8 = arith.constant 0 : i32
    %scan3A_9 = arith.constant 80 : i32
    %scan3A_10 = arith.addi %scan3A_8, %scan3A_9 : i32
    %scan3A_11 = arith.constant 1 : i32
    scf.for %scan3A_21 = %scan3A_8 to %scan3A_10 step %scan3A_11  : i32 {
      %mul3A = arith.constant 2 : i32
      %mul3A_22 = arith.muli %mul3A, %scan3A_21 : i32
      %mul3A_23 = arith.constant 12800 : i32
      %mul3A_24 = arith.muli %arg1, %mul3A_23 : i32
      %mul3A_25 = arith.constant 80 : i32
      %mul3A_26 = arith.muli %mul3A_22, %mul3A_25 : i32
      %add3A = arith.addi %mul3A_24, %mul3A_26 : i32
      %dma_wait3A_27 = arith.constant 0 : i32
      %dma_wait3A_28 = arith.constant 0 : i32
      %dma_wait3A_29 = tpu.memref_slice %arg6[%dma_wait3A_27, %dma_wait3A_28] : memref<13x80xi32, #tpu.memory_space<vmem>> -> memref<1x80xi32, #tpu.memory_space<vmem>>
      %dma_wait3A_30 = tpu.memref_squeeze %dma_wait3A_29 : memref<1x80xi32, #tpu.memory_space<vmem>> -> memref<80xi32, #tpu.memory_space<vmem>>
      %dma_wait3A_31 = arith.constant 0 : i32
      %dma_wait3A_32 = arith.constant 0 : i32
      %dma_wait3A_33 = tpu.memref_slice %arg5[%dma_wait3A_31, %dma_wait3A_32] : memref<13000x128xf32, #tpu.memory_space<vmem_shared>> -> memref<13000x128xf32, #tpu.memory_space<vmem_shared>>
      tpu.wait_indirect_dma semaphore(%arg10 : memref<!tpu.dma_semaphore, #tpu.memory_space<semaphore_mem>>) src(%dma_wait3A_33 : memref<13000x128xf32, #tpu.memory_space<vmem_shared>>) dst(%arg8 : memref<80x128xf32, #tpu.memory_space<vmem>>)
      %scan3A_34 = arith.constant 0 : i32
      %scan3A_35 = arith.constant 1 : i32
      %scan3A_36 = arith.constant 12 : i32
      %scan3A_37 = arith.addi %scan3A_35, %scan3A_36 : i32
      %scan3A_38 = arith.constant 1 : i32
      scf.for %scan3A_123 = %scan3A_35 to %scan3A_37 step %scan3A_38  : i32 {
        %dma_start3A_124 = arith.constant 0 : i32
        %dma_start3A_125 = tpu.memref_slice %arg6[%scan3A_123, %dma_start3A_124] : memref<13x80xi32, #tpu.memory_space<vmem>> -> memref<1x80xi32, #tpu.memory_space<vmem>>
        %dma_start3A_126 = tpu.memref_squeeze %dma_start3A_125 : memref<1x80xi32, #tpu.memory_space<vmem>> -> memref<80xi32, #tpu.memory_space<vmem>>
        %dma_start3A_127 = arith.constant 0 : i32
        %dma_start3A_128 = arith.constant 0 : i32
        %dma_start3A_129 = tpu.memref_slice %arg5[%dma_start3A_127, %dma_start3A_128] : memref<13000x128xf32, #tpu.memory_space<vmem_shared>> -> memref<13000x128xf32, #tpu.memory_space<vmem_shared>>
        tpu.enqueue_indirect_dma source(%dma_start3A_129 : memref<13000x128xf32, #tpu.memory_space<vmem_shared>>) target(%arg8 : memref<80x128xf32, #tpu.memory_space<vmem>>) offsets(%dma_start3A_126 : memref<80xi32, #tpu.memory_space<vmem>>) semaphore(%arg11 : memref<!tpu.dma_semaphore, #tpu.memory_space<semaphore_mem>>) {add = true}
      }
      %scan3A_39 = arith.constant 12 : i32
      %add3A_40 = arith.constant 1 : i32
      %add3A_41 = arith.addi %mul3A_22, %add3A_40 : i32
      %lt3A_42 = arith.constant 160 : i32
      %lt3A_43 = arith.cmpi slt, %add3A_41, %lt3A_42 : i32
      %convert_element_type3A_44 = arith.extui %lt3A_43 : i1 to i32
      %cond3A_45 = arith.constant 0 : i32
      %cond3A_46 = arith.cmpi ne, %convert_element_type3A_44, %cond3A_45 : i32
      scf.if %cond3A_46 {
        %add3A_123 = arith.constant 1 : i32
        %add3A_124 = arith.addi %mul3A_22, %add3A_123 : i32
        %dma_start3A_125 = arith.constant 0 : i32
        %dma_start3A_126 = arith.constant 0 : i32
        %dma_start3A_127 = tpu.memref_slice %arg3[%arg0, %arg1, %add3A_124, %dma_start3A_125, %dma_start3A_126] : memref<2x16x160x13x80xi32, #tpu.memory_space<hbm>> -> memref<1x1x1x13x80xi32, #tpu.memory_space<hbm>>
        %dma_start3A_128 = tpu.memref_squeeze %dma_start3A_127 : memref<1x1x1x13x80xi32, #tpu.memory_space<hbm>> -> memref<13x80xi32, #tpu.memory_space<hbm>>
        %dma_start3A_129 = arith.constant 0 : i32
        %dma_start3A_130 = arith.constant 0 : i32
        %dma_start3A_131 = tpu.memref_slice %arg3[%arg0, %arg1, %add3A_124, %dma_start3A_129, %dma_start3A_130] : memref<2x16x160x13x80xi32, #tpu.memory_space<hbm>> -> memref<1x1x1x13x80xi32, #tpu.memory_space<hbm>>
        %dma_start3A_132 = tpu.memref_squeeze %dma_start3A_131 : memref<1x1x1x13x80xi32, #tpu.memory_space<hbm>> -> memref<13x80xi32, #tpu.memory_space<hbm>>
        tpu.enqueue_dma source(%dma_start3A_132 : memref<13x80xi32, #tpu.memory_space<hbm>>) target(%arg7 : memref<13x80xi32, #tpu.memory_space<vmem>>) target_semaphore(%arg12 : memref<!tpu.dma_semaphore, #tpu.memory_space<semaphore_mem>>)
      } else {
      }
      %ge3A = arith.constant 1 : i32
      %ge3A_47 = arith.cmpi sge, %mul3A_22, %ge3A : i32
      %convert_element_type3A_48 = arith.extui %ge3A_47 : i1 to i32
      %cond3A_49 = arith.constant 0 : i32
      %cond3A_50 = arith.cmpi ne, %convert_element_type3A_48, %cond3A_49 : i32
      scf.if %cond3A_50 {
        %dma_wait3A_123 = arith.constant 0 : i32
        %dma_wait3A_124 = arith.constant 0 : i32
        %dma_wait3A_125 = tpu.memref_slice %arg4[%arg0, %dma_wait3A_123, %dma_wait3A_124] : memref<2x204800x128xf32, #tpu.memory_space<hbm>> -> memref<1x80x128xf32, #tpu.memory_space<hbm>>
        %dma_wait3A_126 = tpu.memref_squeeze %dma_wait3A_125 : memref<1x80x128xf32, #tpu.memory_space<hbm>> -> memref<80x128xf32, #tpu.memory_space<hbm>>
        %dma_wait3A_127 = arith.constant 0 : i32
        %dma_wait3A_128 = arith.constant 0 : i32
        %dma_wait3A_129 = tpu.memref_slice %arg4[%arg0, %dma_wait3A_127, %dma_wait3A_128] : memref<2x204800x128xf32, #tpu.memory_space<hbm>> -> memref<1x80x128xf32, #tpu.memory_space<hbm>>
        %dma_wait3A_130 = tpu.memref_squeeze %dma_wait3A_129 : memref<1x80x128xf32, #tpu.memory_space<hbm>> -> memref<80x128xf32, #tpu.memory_space<hbm>>
        tpu.wait_dma2 semaphore(%arg13 : memref<!tpu.dma_semaphore, #tpu.memory_space<semaphore_mem>>) src(%arg9 : memref<80x128xf32, #tpu.memory_space<vmem>>) dst(%dma_wait3A_130 : memref<80x128xf32, #tpu.memory_space<hbm>>)
      } else {
      }
      %scan3A_51 = arith.constant 0 : i32
      %scan3A_52 = arith.constant 1 : i32
      %scan3A_53 = arith.constant 12 : i32
      %scan3A_54 = arith.addi %scan3A_52, %scan3A_53 : i32
      %scan3A_55 = arith.constant 1 : i32
      scf.for %scan3A_123 = %scan3A_52 to %scan3A_54 step %scan3A_55  : i32 {
        %dma_wait3A_124 = arith.constant 0 : i32
        %dma_wait3A_125 = arith.constant 0 : i32
        %dma_wait3A_126 = tpu.memref_slice %arg6[%dma_wait3A_124, %dma_wait3A_125] : memref<13x80xi32, #tpu.memory_space<vmem>> -> memref<1x80xi32, #tpu.memory_space<vmem>>
        %dma_wait3A_127 = tpu.memref_squeeze %dma_wait3A_126 : memref<1x80xi32, #tpu.memory_space<vmem>> -> memref<80xi32, #tpu.memory_space<vmem>>
        %dma_wait3A_128 = arith.constant 0 : i32
        %dma_wait3A_129 = arith.constant 0 : i32
        %dma_wait3A_130 = tpu.memref_slice %arg5[%dma_wait3A_128, %dma_wait3A_129] : memref<13000x128xf32, #tpu.memory_space<vmem_shared>> -> memref<13000x128xf32, #tpu.memory_space<vmem_shared>>
        tpu.wait_indirect_dma semaphore(%arg11 : memref<!tpu.dma_semaphore, #tpu.memory_space<semaphore_mem>>) src(%dma_wait3A_130 : memref<13000x128xf32, #tpu.memory_space<vmem_shared>>) dst(%arg8 : memref<80x128xf32, #tpu.memory_space<vmem>>)
      }
      %scan3A_56 = arith.constant 12 : i32
      %dma_start3A_57 = arith.constant 0 : i32
      %dma_start3A_58 = tpu.memref_slice %arg4[%arg0, %add3A, %dma_start3A_57] : memref<2x204800x128xf32, #tpu.memory_space<hbm>> -> memref<1x80x128xf32, #tpu.memory_space<hbm>>
      %dma_start3A_59 = tpu.memref_squeeze %dma_start3A_58 : memref<1x80x128xf32, #tpu.memory_space<hbm>> -> memref<80x128xf32, #tpu.memory_space<hbm>>
      %dma_start3A_60 = arith.constant 0 : i32
      %dma_start3A_61 = tpu.memref_slice %arg4[%arg0, %add3A, %dma_start3A_60] : memref<2x204800x128xf32, #tpu.memory_space<hbm>> -> memref<1x80x128xf32, #tpu.memory_space<hbm>>
      %dma_start3A_62 = tpu.memref_squeeze %dma_start3A_61 : memref<1x80x128xf32, #tpu.memory_space<hbm>> -> memref<80x128xf32, #tpu.memory_space<hbm>>
      tpu.enqueue_dma source(%arg8 : memref<80x128xf32, #tpu.memory_space<vmem>>) target(%dma_start3A_62 : memref<80x128xf32, #tpu.memory_space<hbm>>) target_semaphore(%arg13 : memref<!tpu.dma_semaphore, #tpu.memory_space<semaphore_mem>>)
      %add3A_63 = arith.constant 1 : i32
      %add3A_64 = arith.addi %mul3A_22, %add3A_63 : i32
      %lt3A_65 = arith.constant 160 : i32
      %lt3A_66 = arith.cmpi slt, %add3A_64, %lt3A_65 : i32
      %convert_element_type3A_67 = arith.extui %lt3A_66 : i1 to i32
      %cond3A_68 = arith.constant 0 : i32
      %cond3A_69 = arith.cmpi ne, %convert_element_type3A_67, %cond3A_68 : i32
      scf.if %cond3A_69 {
        %dma_wait3A_123 = arith.constant 0 : i32
        %dma_wait3A_124 = arith.constant 0 : i32
        %dma_wait3A_125 = arith.constant 0 : i32
        %dma_wait3A_126 = tpu.memref_slice %arg3[%arg0, %arg1, %dma_wait3A_123, %dma_wait3A_124, %dma_wait3A_125] : memref<2x16x160x13x80xi32, #tpu.memory_space<hbm>> -> memref<1x1x1x13x80xi32, #tpu.memory_space<hbm>>
        %dma_wait3A_127 = tpu.memref_squeeze %dma_wait3A_126 : memref<1x1x1x13x80xi32, #tpu.memory_space<hbm>> -> memref<13x80xi32, #tpu.memory_space<hbm>>
        %dma_wait3A_128 = arith.constant 0 : i32
        %dma_wait3A_129 = arith.constant 0 : i32
        %dma_wait3A_130 = tpu.memref_slice %arg3[%arg0, %arg1, %dma_wait3A_123, %dma_wait3A_128, %dma_wait3A_129] : memref<2x16x160x13x80xi32, #tpu.memory_space<hbm>> -> memref<1x1x1x13x80xi32, #tpu.memory_space<hbm>>
        %dma_wait3A_131 = tpu.memref_squeeze %dma_wait3A_130 : memref<1x1x1x13x80xi32, #tpu.memory_space<hbm>> -> memref<13x80xi32, #tpu.memory_space<hbm>>
        tpu.wait_dma2 semaphore(%arg12 : memref<!tpu.dma_semaphore, #tpu.memory_space<semaphore_mem>>) src(%dma_wait3A_131 : memref<13x80xi32, #tpu.memory_space<hbm>>) dst(%arg7 : memref<13x80xi32, #tpu.memory_space<vmem>>)
        %dma_start3A_132 = arith.constant 0 : i32
        %dma_start3A_133 = arith.constant 0 : i32
        %dma_start3A_134 = tpu.memref_slice %arg7[%dma_start3A_132, %dma_start3A_133] : memref<13x80xi32, #tpu.memory_space<vmem>> -> memref<1x80xi32, #tpu.memory_space<vmem>>
        %dma_start3A_135 = tpu.memref_squeeze %dma_start3A_134 : memref<1x80xi32, #tpu.memory_space<vmem>> -> memref<80xi32, #tpu.memory_space<vmem>>
        %dma_start3A_136 = arith.constant 0 : i32
        %dma_start3A_137 = arith.constant 0 : i32
        %dma_start3A_138 = tpu.memref_slice %arg5[%dma_start3A_136, %dma_start3A_137] : memref<13000x128xf32, #tpu.memory_space<vmem_shared>> -> memref<13000x128xf32, #tpu.memory_space<vmem_shared>>
        tpu.enqueue_indirect_dma source(%dma_start3A_138 : memref<13000x128xf32, #tpu.memory_space<vmem_shared>>) target(%arg9 : memref<80x128xf32, #tpu.memory_space<vmem>>) offsets(%dma_start3A_135 : memref<80xi32, #tpu.memory_space<vmem>>) semaphore(%arg10 : memref<!tpu.dma_semaphore, #tpu.memory_space<semaphore_mem>>)
      } else {
      }
      %mul3A_70 = arith.constant 2 : i32
      %mul3A_71 = arith.muli %mul3A_70, %scan3A_21 : i32
      %add3A_72 = arith.constant 1 : i32
      %add3A_73 = arith.addi %mul3A_71, %add3A_72 : i32
      %mul3A_74 = arith.constant 12800 : i32
      %mul3A_75 = arith.muli %arg1, %mul3A_74 : i32
      %mul3A_76 = arith.constant 80 : i32
      %mul3A_77 = arith.muli %add3A_73, %mul3A_76 : i32
      %add3A_78 = arith.addi %mul3A_75, %mul3A_77 : i32
      %dma_wait3A_79 = arith.constant 0 : i32
      %dma_wait3A_80 = arith.constant 0 : i32
      %dma_wait3A_81 = tpu.memref_slice %arg7[%dma_wait3A_79, %dma_wait3A_80] : memref<13x80xi32, #tpu.memory_space<vmem>> -> memref<1x80xi32, #tpu.memory_space<vmem>>
      %dma_wait3A_82 = tpu.memref_squeeze %dma_wait3A_81 : memref<1x80xi32, #tpu.memory_space<vmem>> -> memref<80xi32, #tpu.memory_space<vmem>>
      %dma_wait3A_83 = arith.constant 0 : i32
      %dma_wait3A_84 = arith.constant 0 : i32
      %dma_wait3A_85 = tpu.memref_slice %arg5[%dma_wait3A_83, %dma_wait3A_84] : memref<13000x128xf32, #tpu.memory_space<vmem_shared>> -> memref<13000x128xf32, #tpu.memory_space<vmem_shared>>
      tpu.wait_indirect_dma semaphore(%arg10 : memref<!tpu.dma_semaphore, #tpu.memory_space<semaphore_mem>>) src(%dma_wait3A_85 : memref<13000x128xf32, #tpu.memory_space<vmem_shared>>) dst(%arg9 : memref<80x128xf32, #tpu.memory_space<vmem>>)
      %scan3A_86 = arith.constant 0 : i32
      %scan3A_87 = arith.constant 1 : i32
      %scan3A_88 = arith.constant 12 : i32
      %scan3A_89 = arith.addi %scan3A_87, %scan3A_88 : i32
      %scan3A_90 = arith.constant 1 : i32
      scf.for %scan3A_123 = %scan3A_87 to %scan3A_89 step %scan3A_90  : i32 {
        %dma_start3A_124 = arith.constant 0 : i32
        %dma_start3A_125 = tpu.memref_slice %arg7[%scan3A_123, %dma_start3A_124] : memref<13x80xi32, #tpu.memory_space<vmem>> -> memref<1x80xi32, #tpu.memory_space<vmem>>
        %dma_start3A_126 = tpu.memref_squeeze %dma_start3A_125 : memref<1x80xi32, #tpu.memory_space<vmem>> -> memref<80xi32, #tpu.memory_space<vmem>>
        %dma_start3A_127 = arith.constant 0 : i32
        %dma_start3A_128 = arith.constant 0 : i32
        %dma_start3A_129 = tpu.memref_slice %arg5[%dma_start3A_127, %dma_start3A_128] : memref<13000x128xf32, #tpu.memory_space<vmem_shared>> -> memref<13000x128xf32, #tpu.memory_space<vmem_shared>>
        tpu.enqueue_indirect_dma source(%dma_start3A_129 : memref<13000x128xf32, #tpu.memory_space<vmem_shared>>) target(%arg9 : memref<80x128xf32, #tpu.memory_space<vmem>>) offsets(%dma_start3A_126 : memref<80xi32, #tpu.memory_space<vmem>>) semaphore(%arg11 : memref<!tpu.dma_semaphore, #tpu.memory_space<semaphore_mem>>) {add = true}
      }
      %scan3A_91 = arith.constant 12 : i32
      %add3A_92 = arith.constant 1 : i32
      %add3A_93 = arith.addi %add3A_73, %add3A_92 : i32
      %lt3A_94 = arith.constant 160 : i32
      %lt3A_95 = arith.cmpi slt, %add3A_93, %lt3A_94 : i32
      %convert_element_type3A_96 = arith.extui %lt3A_95 : i1 to i32
      %cond3A_97 = arith.constant 0 : i32
      %cond3A_98 = arith.cmpi ne, %convert_element_type3A_96, %cond3A_97 : i32
      scf.if %cond3A_98 {
        %add3A_123 = arith.constant 1 : i32
        %add3A_124 = arith.addi %add3A_73, %add3A_123 : i32
        %dma_start3A_125 = arith.constant 0 : i32
        %dma_start3A_126 = arith.constant 0 : i32
        %dma_start3A_127 = tpu.memref_slice %arg3[%arg0, %arg1, %add3A_124, %dma_start3A_125, %dma_start3A_126] : memref<2x16x160x13x80xi32, #tpu.memory_space<hbm>> -> memref<1x1x1x13x80xi32, #tpu.memory_space<hbm>>
        %dma_start3A_128 = tpu.memref_squeeze %dma_start3A_127 : memref<1x1x1x13x80xi32, #tpu.memory_space<hbm>> -> memref<13x80xi32, #tpu.memory_space<hbm>>
        %dma_start3A_129 = arith.constant 0 : i32
        %dma_start3A_130 = arith.constant 0 : i32
        %dma_start3A_131 = tpu.memref_slice %arg3[%arg0, %arg1, %add3A_124, %dma_start3A_129, %dma_start3A_130] : memref<2x16x160x13x80xi32, #tpu.memory_space<hbm>> -> memref<1x1x1x13x80xi32, #tpu.memory_space<hbm>>
        %dma_start3A_132 = tpu.memref_squeeze %dma_start3A_131 : memref<1x1x1x13x80xi32, #tpu.memory_space<hbm>> -> memref<13x80xi32, #tpu.memory_space<hbm>>
        tpu.enqueue_dma source(%dma_start3A_132 : memref<13x80xi32, #tpu.memory_space<hbm>>) target(%arg6 : memref<13x80xi32, #tpu.memory_space<vmem>>) target_semaphore(%arg12 : memref<!tpu.dma_semaphore, #tpu.memory_space<semaphore_mem>>)
      } else {
      }
      %ge3A_99 = arith.constant 1 : i32
      %ge3A_100 = arith.cmpi sge, %add3A_73, %ge3A_99 : i32
      %convert_element_type3A_101 = arith.extui %ge3A_100 : i1 to i32
      %cond3A_102 = arith.constant 0 : i32
      %cond3A_103 = arith.cmpi ne, %convert_element_type3A_101, %cond3A_102 : i32
      scf.if %cond3A_103 {
        %dma_wait3A_123 = arith.constant 0 : i32
        %dma_wait3A_124 = arith.constant 0 : i32
        %dma_wait3A_125 = tpu.memref_slice %arg4[%arg0, %dma_wait3A_123, %dma_wait3A_124] : memref<2x204800x128xf32, #tpu.memory_space<hbm>> -> memref<1x80x128xf32, #tpu.memory_space<hbm>>
        %dma_wait3A_126 = tpu.memref_squeeze %dma_wait3A_125 : memref<1x80x128xf32, #tpu.memory_space<hbm>> -> memref<80x128xf32, #tpu.memory_space<hbm>>
        %dma_wait3A_127 = arith.constant 0 : i32
        %dma_wait3A_128 = arith.constant 0 : i32
        %dma_wait3A_129 = tpu.memref_slice %arg4[%arg0, %dma_wait3A_127, %dma_wait3A_128] : memref<2x204800x128xf32, #tpu.memory_space<hbm>> -> memref<1x80x128xf32, #tpu.memory_space<hbm>>
        %dma_wait3A_130 = tpu.memref_squeeze %dma_wait3A_129 : memref<1x80x128xf32, #tpu.memory_space<hbm>> -> memref<80x128xf32, #tpu.memory_space<hbm>>
        tpu.wait_dma2 semaphore(%arg13 : memref<!tpu.dma_semaphore, #tpu.memory_space<semaphore_mem>>) src(%arg8 : memref<80x128xf32, #tpu.memory_space<vmem>>) dst(%dma_wait3A_130 : memref<80x128xf32, #tpu.memory_space<hbm>>)
      } else {
      }
      %scan3A_104 = arith.constant 0 : i32
      %scan3A_105 = arith.constant 1 : i32
      %scan3A_106 = arith.constant 12 : i32
      %scan3A_107 = arith.addi %scan3A_105, %scan3A_106 : i32
      %scan3A_108 = arith.constant 1 : i32
      scf.for %scan3A_123 = %scan3A_105 to %scan3A_107 step %scan3A_108  : i32 {
        %dma_wait3A_124 = arith.constant 0 : i32
        %dma_wait3A_125 = arith.constant 0 : i32
        %dma_wait3A_126 = tpu.memref_slice %arg7[%dma_wait3A_124, %dma_wait3A_125] : memref<13x80xi32, #tpu.memory_space<vmem>> -> memref<1x80xi32, #tpu.memory_space<vmem>>
        %dma_wait3A_127 = tpu.memref_squeeze %dma_wait3A_126 : memref<1x80xi32, #tpu.memory_space<vmem>> -> memref<80xi32, #tpu.memory_space<vmem>>
        %dma_wait3A_128 = arith.constant 0 : i32
        %dma_wait3A_129 = arith.constant 0 : i32
        %dma_wait3A_130 = tpu.memref_slice %arg5[%dma_wait3A_128, %dma_wait3A_129] : memref<13000x128xf32, #tpu.memory_space<vmem_shared>> -> memref<13000x128xf32, #tpu.memory_space<vmem_shared>>
        tpu.wait_indirect_dma semaphore(%arg11 : memref<!tpu.dma_semaphore, #tpu.memory_space<semaphore_mem>>) src(%dma_wait3A_130 : memref<13000x128xf32, #tpu.memory_space<vmem_shared>>) dst(%arg9 : memref<80x128xf32, #tpu.memory_space<vmem>>)
      }
      %scan3A_109 = arith.constant 12 : i32
      %dma_start3A_110 = arith.constant 0 : i32
      %dma_start3A_111 = tpu.memref_slice %arg4[%arg0, %add3A_78, %dma_start3A_110] : memref<2x204800x128xf32, #tpu.memory_space<hbm>> -> memref<1x80x128xf32, #tpu.memory_space<hbm>>
      %dma_start3A_112 = tpu.memref_squeeze %dma_start3A_111 : memref<1x80x128xf32, #tpu.memory_space<hbm>> -> memref<80x128xf32, #tpu.memory_space<hbm>>
      %dma_start3A_113 = arith.constant 0 : i32
      %dma_start3A_114 = tpu.memref_slice %arg4[%arg0, %add3A_78, %dma_start3A_113] : memref<2x204800x128xf32, #tpu.memory_space<hbm>> -> memref<1x80x128xf32, #tpu.memory_space<hbm>>
      %dma_start3A_115 = tpu.memref_squeeze %dma_start3A_114 : memref<1x80x128xf32, #tpu.memory_space<hbm>> -> memref<80x128xf32, #tpu.memory_space<hbm>>
      tpu.enqueue_dma source(%arg9 : memref<80x128xf32, #tpu.memory_space<vmem>>) target(%dma_start3A_115 : memref<80x128xf32, #tpu.memory_space<hbm>>) target_semaphore(%arg13 : memref<!tpu.dma_semaphore, #tpu.memory_space<semaphore_mem>>)
      %add3A_116 = arith.constant 1 : i32
      %add3A_117 = arith.addi %add3A_73, %add3A_116 : i32
      %lt3A_118 = arith.constant 160 : i32
      %lt3A_119 = arith.cmpi slt, %add3A_117, %lt3A_118 : i32
      %convert_element_type3A_120 = arith.extui %lt3A_119 : i1 to i32
      %cond3A_121 = arith.constant 0 : i32
      %cond3A_122 = arith.cmpi ne, %convert_element_type3A_120, %cond3A_121 : i32
      scf.if %cond3A_122 {
        %dma_wait3A_123 = arith.constant 0 : i32
        %dma_wait3A_124 = arith.constant 0 : i32
        %dma_wait3A_125 = arith.constant 0 : i32
        %dma_wait3A_126 = tpu.memref_slice %arg3[%arg0, %arg1, %dma_wait3A_123, %dma_wait3A_124, %dma_wait3A_125] : memref<2x16x160x13x80xi32, #tpu.memory_space<hbm>> -> memref<1x1x1x13x80xi32, #tpu.memory_space<hbm>>
        %dma_wait3A_127 = tpu.memref_squeeze %dma_wait3A_126 : memref<1x1x1x13x80xi32, #tpu.memory_space<hbm>> -> memref<13x80xi32, #tpu.memory_space<hbm>>
        %dma_wait3A_128 = arith.constant 0 : i32
        %dma_wait3A_129 = arith.constant 0 : i32
        %dma_wait3A_130 = tpu.memref_slice %arg3[%arg0, %arg1, %dma_wait3A_123, %dma_wait3A_128, %dma_wait3A_129] : memref<2x16x160x13x80xi32, #tpu.memory_space<hbm>> -> memref<1x1x1x13x80xi32, #tpu.memory_space<hbm>>
        %dma_wait3A_131 = tpu.memref_squeeze %dma_wait3A_130 : memref<1x1x1x13x80xi32, #tpu.memory_space<hbm>> -> memref<13x80xi32, #tpu.memory_space<hbm>>
        tpu.wait_dma2 semaphore(%arg12 : memref<!tpu.dma_semaphore, #tpu.memory_space<semaphore_mem>>) src(%dma_wait3A_131 : memref<13x80xi32, #tpu.memory_space<hbm>>) dst(%arg6 : memref<13x80xi32, #tpu.memory_space<vmem>>)
        %dma_start3A_132 = arith.constant 0 : i32
        %dma_start3A_133 = arith.constant 0 : i32
        %dma_start3A_134 = tpu.memref_slice %arg6[%dma_start3A_132, %dma_start3A_133] : memref<13x80xi32, #tpu.memory_space<vmem>> -> memref<1x80xi32, #tpu.memory_space<vmem>>
        %dma_start3A_135 = tpu.memref_squeeze %dma_start3A_134 : memref<1x80xi32, #tpu.memory_space<vmem>> -> memref<80xi32, #tpu.memory_space<vmem>>
        %dma_start3A_136 = arith.constant 0 : i32
        %dma_start3A_137 = arith.constant 0 : i32
        %dma_start3A_138 = tpu.memref_slice %arg5[%dma_start3A_136, %dma_start3A_137] : memref<13000x128xf32, #tpu.memory_space<vmem_shared>> -> memref<13000x128xf32, #tpu.memory_space<vmem_shared>>
        tpu.enqueue_indirect_dma source(%dma_start3A_138 : memref<13000x128xf32, #tpu.memory_space<vmem_shared>>) target(%arg8 : memref<80x128xf32, #tpu.memory_space<vmem>>) offsets(%dma_start3A_135 : memref<80xi32, #tpu.memory_space<vmem>>) semaphore(%arg10 : memref<!tpu.dma_semaphore, #tpu.memory_space<semaphore_mem>>)
      } else {
      }
    }
    %scan3A_12 = arith.constant 80 : i32
    %dma_wait3A = arith.constant 0 : i32
    %dma_wait3A_13 = arith.constant 0 : i32
    %dma_wait3A_14 = arith.constant 0 : i32
    %dma_wait3A_15 = tpu.memref_slice %arg4[%dma_wait3A, %dma_wait3A_13, %dma_wait3A_14] : memref<2x204800x128xf32, #tpu.memory_space<hbm>> -> memref<1x80x128xf32, #tpu.memory_space<hbm>>
    %dma_wait3A_16 = tpu.memref_squeeze %dma_wait3A_15 : memref<1x80x128xf32, #tpu.memory_space<hbm>> -> memref<80x128xf32, #tpu.memory_space<hbm>>
    %dma_wait3A_17 = arith.constant 0 : i32
    %dma_wait3A_18 = arith.constant 0 : i32
    %dma_wait3A_19 = tpu.memref_slice %arg4[%dma_wait3A, %dma_wait3A_17, %dma_wait3A_18] : memref<2x204800x128xf32, #tpu.memory_space<hbm>> -> memref<1x80x128xf32, #tpu.memory_space<hbm>>
    %dma_wait3A_20 = tpu.memref_squeeze %dma_wait3A_19 : memref<1x80x128xf32, #tpu.memory_space<hbm>> -> memref<80x128xf32, #tpu.memory_space<hbm>>
    tpu.wait_dma2 semaphore(%arg13 : memref<!tpu.dma_semaphore, #tpu.memory_space<semaphore_mem>>) src(%arg9 : memref<80x128xf32, #tpu.memory_space<vmem>>) dst(%dma_wait3A_20 : memref<80x128xf32, #tpu.memory_space<hbm>>)
    return
  }
}

module attributes {stable_mosaic.version = 14 : i64} {
  func.func @body(%arg0: i32, %arg1: memref<8x200x32xf32, #tpu.memory_space<vmem>>, %arg2: memref<128x32xf32, #tpu.memory_space<vmem>>, %arg3: memref<128xf32, #tpu.memory_space<vmem>>, %arg4: memref<200x128xf32, #tpu.memory_space<vmem>>, %arg5: memref<2x8x200x128xf32, #tpu.memory_space<vmem>>, %arg6: memref<8x200x128xf32, #tpu.memory_space<vmem>>) attributes {dimension_semantics = [#tpu.dimension_semantics<arbitrary>], iteration_bounds = array<i64: 128>, scalar_prefetch = 0 : i64, scratch_operands = 0 : i64, tpu.core_type = #tpu.core_type<tc>, window_params = [{transform_indices = @transform_0, window_bounds = array<i64: 8, 200, 32>}, {pipeline_mode = #tpu.pipeline_mode<synchronous>, transform_indices = @transform_1, window_bounds = array<i64: 128, 32>}, {pipeline_mode = #tpu.pipeline_mode<synchronous>, transform_indices = @transform_2, window_bounds = array<i64: 128>}, {pipeline_mode = #tpu.pipeline_mode<synchronous>, transform_indices = @transform_3, window_bounds = array<i64: 200, 128>}, {transform_indices = @transform_4, window_bounds = array<i64: 2, 8, 200, 128>}, {transform_indices = @transform_5, window_bounds = array<i64: 8, 200, 128>}]} {
    %get3A = arith.constant 0 : index
    %get3A_0 = arith.constant 0 : index
    %get3A_1 = arith.constant 0 : index
    %get3A_2 = vector.load %arg1[%get3A, %get3A_0, %get3A_1] : memref<8x200x32xf32, #tpu.memory_space<vmem>>, vector<8x200x32xf32>
    %reshape3A = vector.shape_cast %get3A_2 : vector<8x200x32xf32> to vector<1600x32xf32>
    %get3A_3 = arith.constant 0 : index
    %get3A_4 = arith.constant 0 : index
    %get3A_5 = vector.load %arg2[%get3A_3, %get3A_4] : memref<128x32xf32, #tpu.memory_space<vmem>>, vector<128x32xf32>
    %dot_general3A = arith.constant dense<0.000000e+00> : vector<1600x128xf32>
    %dot_general3A_6 = tpu.matmul %reshape3A, %get3A_5, %dot_general3A {dimension_numbers = #tpu.dot_dimension_numbers<[1], [1], [0], [0], [0, 0, 1, 0], [], []>, transpose_lhs_hint = false} : vector<1600x32xf32>, vector<128x32xf32>, vector<1600x128xf32> -> vector<1600x128xf32>
    %get3A_7 = arith.constant 0 : index
    %get3A_8 = arith.constant 0 : index
    %get3A_9 = arith.constant 0 : index
    %get3A_10 = arith.constant 0 : index
    %get3A_11 = vector.load %arg5[%get3A_7, %get3A_8, %get3A_9, %get3A_10] : memref<2x8x200x128xf32, #tpu.memory_space<vmem>>, vector<1x8x200x128xf32>
    %get3A_12 = vector.shape_cast %get3A_11 : vector<1x8x200x128xf32> to vector<8x200x128xf32>
    %get3A_13 = arith.constant 1 : index
    %get3A_14 = arith.constant 0 : index
    %get3A_15 = arith.constant 0 : index
    %get3A_16 = arith.constant 0 : index
    %get3A_17 = vector.load %arg5[%get3A_13, %get3A_14, %get3A_15, %get3A_16] : memref<2x8x200x128xf32, #tpu.memory_space<vmem>>, vector<1x8x200x128xf32>
    %get3A_18 = vector.shape_cast %get3A_17 : vector<1x8x200x128xf32> to vector<8x200x128xf32>
    %add3A = arith.addf %get3A_12, %get3A_18 : vector<8x200x128xf32>
    %reshape3A_19 = vector.shape_cast %dot_general3A_6 : vector<1600x128xf32> to vector<8x200x128xf32>
    %get3A_20 = arith.constant 0 : index
    %get3A_21 = vector.load %arg3[%get3A_20] : memref<128xf32, #tpu.memory_space<vmem>>, vector<128xf32>
    %broadcast_in_dim3A = vector.shape_cast %get3A_21 : vector<128xf32> to vector<1x1x128xf32>
    %add3A_22 = vector.broadcast %broadcast_in_dim3A : vector<1x1x128xf32> to vector<8x200x128xf32>
    %add3A_23 = arith.addf %reshape3A_19, %add3A_22 : vector<8x200x128xf32>
    %get3A_24 = arith.constant 0 : index
    %get3A_25 = arith.constant 0 : index
    %get3A_26 = vector.load %arg4[%get3A_24, %get3A_25] : memref<200x128xf32, #tpu.memory_space<vmem>>, vector<200x128xf32>
    %broadcast_in_dim3A_27 = vector.shape_cast %get3A_26 : vector<200x128xf32> to vector<1x200x128xf32>
    %add3A_28 = vector.broadcast %broadcast_in_dim3A_27 : vector<1x200x128xf32> to vector<8x200x128xf32>
    %add3A_29 = arith.addf %add3A_23, %add3A_28 : vector<8x200x128xf32>
    %add3A_30 = arith.addf %add3A_29, %add3A : vector<8x200x128xf32>
    %swap3A = arith.constant 0 : index
    %swap3A_31 = arith.constant 0 : index
    %swap3A_32 = arith.constant 0 : index
    %swap3A_33 = vector.load %arg6[%swap3A, %swap3A_31, %swap3A_32] : memref<8x200x128xf32, #tpu.memory_space<vmem>>, vector<8x200x128xf32>
    tpu.vector_store %arg6[%swap3A, %swap3A_31, %swap3A_32], %add3A_30 {strides = array<i32>} : memref<8x200x128xf32, #tpu.memory_space<vmem>>, vector<8x200x128xf32>,
    return
  }
  func.func @transform_0(%arg0: i32) -> (i32, i32, i32) {
    %c0_i32 = arith.constant 0 : i32
    %c0_i32_0 = arith.constant 0 : i32
    %c0_i32_1 = arith.constant 0 : i32
    return %arg0, %c0_i32, %c0_i32_0 : i32, i32, i32
  }
  func.func @transform_1(%arg0: i32) -> (i32, i32) {
    %c0_i32 = arith.constant 0 : i32
    %c0_i32_0 = arith.constant 0 : i32
    %c0_i32_1 = arith.constant 0 : i32
    return %c0_i32, %c0_i32_0 : i32, i32
  }
  func.func @transform_2(%arg0: i32) -> i32 {
    %c0_i32 = arith.constant 0 : i32
    %c0_i32_0 = arith.constant 0 : i32
    return %c0_i32 : i32
  }
  func.func @transform_3(%arg0: i32) -> (i32, i32) {
    %c0_i32 = arith.constant 0 : i32
    %c0_i32_0 = arith.constant 0 : i32
    %c0_i32_1 = arith.constant 0 : i32
    return %c0_i32, %c0_i32_0 : i32, i32
  }
  func.func @transform_4(%arg0: i32) -> (i32, i32, i32, i32) {
    %c0_i32 = arith.constant 0 : i32
    %c0_i32_0 = arith.constant 0 : i32
    %c0_i32_1 = arith.constant 0 : i32
    %c0_i32_2 = arith.constant 0 : i32
    return %c0_i32, %arg0, %c0_i32_0, %c0_i32_1 : i32, i32, i32, i32
  }
  func.func @transform_5(%arg0: i32) -> (i32, i32, i32) {
    %c0_i32 = arith.constant 0 : i32
    %c0_i32_0 = arith.constant 0 : i32
    %c0_i32_1 = arith.constant 0 : i32
    return %arg0, %c0_i32, %c0_i32_0 : i32, i32, i32
  }
}

</mosaic_0001>

<sc_bundles>
// kernel: kernel.4.cloned.1.call-start
scs
__scs_entry_jumppad:
0x0: {  	(pc) =	sbr.rel $0x88, $3  }
0x1: {  	(tag) =	ssettag $0x0;
	lr =	simm.s32 $0x1  }
0x2: {  	[smem:$0x3F9B] =	sst lr;
	_ =	strace $0xD0000000  }
0x3: {  	_ = 	snop  }
0x4: {  	_ = 	snop  }
0x5: {  	_ = 	snop  }
0x6: {  	_ = 	snop  }
0x7: {  	_ = 	snop  }
__scs_overlays_trampoline_lowered:
0x8: {  	[smem:$0x3FAA] =	sst s0  }
0x9: {  	[smem:$0x3FAB] =	sst s1  }
0xa: {  	[smem:$0x3FAC] =	sst s2  }
0xb: {  	[smem:$0x3FAD] =	sst s3  }
0xc: {  	[smem:$0x3FAE] =	sst s4  }
0xd: {  	[smem:$0x3FAF] =	sst s5  }
0xe: {  	[smem:$0x3FB0] =	sst s6  }
0xf: {  	[smem:$0x3FB1] =	sst s7  }
0x10: {  	[smem:$0x3FB2] =	sst s8  }
0x11: {  	[smem:$0x3FB3] =	sst s9;
	s0 =	simm.s32 @!p0 $0x0  }
0x12: {  	s1 =	sld [smem:$0x3F99];
	s0 =	simm.s32 @p0 $0x1  }
0x13: {  	[smem:$0x3FB4] =	sst s0;
	s0 =	simm.s32 @!p1 $0x0  }
0x14: {  	s2 =	sld [smem:$0x3F98];
	s0 =	simm.s32 @p1 $0x1  }
0x15: {  	[smem:$0x3FB5] =	sst s0;
	s0 =	simm.s32 @!p2 $0x0  }
0x16: {  	s3 =	sld [smem:$0x3FDB];
	s0 =	simm.s32 @p2 $0x1  }
0x17: {  	s4 =	simm.s32 $0x1BF5;
	[smem:$0x3FB7] =	sst s0  }
0x18: {  	s0 =	sld [smem:$0x3F9A];
	_ =	swait.ge [sflag:s4], $0x0  }
0x19: {  	s7 =	sld [smem:$0x3F9B]  }
0x1a: {  	s8 =	sadd.s32 $0xFFFFE003, lr  }
0x1b: {  	s9 =	sadd.s32 $0xFFFFFEF7, lr;
	s5 =	simm.s32 $0xFFFFFFFF;
	p2 =	slt.u32 s8, $0xFFFFF086  }
0x1c: {  	p1 =	slt.u32 s9, $0xF7A;
	s5 =	simm.s32 @!p2 $0x0  }
0x1d: {  	s5 =	simm.s32 @p1 $0x1;
	p0 =	seq.s32 s7, s2  }
0x1e: {  	s7 =	smul.u32 @!p0 $0xF7A, s2;
	p2 =	seq.s32 @!p0 s5, $0x0  }
0x1f: {  	s9 =	smul.u32 $0xF7A, s1;
	s8 =	simm.s32 @!p0 $0x1BF5;
	p2 =	por !p2, p0  }
0x20: {  	[sflag:s8] =	ssyncset.s32 @!p0 $0xFFFFF086;
	s6 =	sadd.s32 @!p0 s3, s7;
	s7 =	simm.s32 @!p0 $0x108  }
0x21: {  	s3 =	sadd.s32 s3, s9;
	s6 =	sadd.s32 @!p0 $0x88, s6;
	s7 =	simm.s32 @p2 $0x1082  }
0x22: {  	[simem:s7], [sflag:s8] =	dma.local @!p0 [hbm:s6], $0xF7A  }
0x23: {  	s9 =	sor.u32 $0xD0000000, s2;
	s6 =	simm.s32 $0x108;
	_ =	swait.ge @!p0 [sflag:s8], $0x0  }
0x24: {  	s3 =	sadd.s32 $0x88, s3;
	s6 =	simm.s32 @!p1 $0x1082;
	[sflag:s4] =	ssyncset.s32 $0xFFFFF086  }
0x25: {  	[simem:s6], [sflag:s4] =	dma.local [hbm:s3], $0xF7A  }
0x26: {  	[smem:$0x3F9B] =	sst s1;
	(tag) =	ssettag s2;
	_ =	strace s9  }
0x27: {  	s1 =	sld [smem:$0x3FAB]  }
0x28: {  	s2 =	sld [smem:$0x3FAC]  }
0x29: {  	s4 =	sld [smem:$0x3FAE]  }
0x2a: {  	p0 =	seq.s32 s5, $0x0;
	s5 =	sld [smem:$0x3FAF]  }
0x2b: {  	s6 =	sld [smem:$0x3FB0]  }
0x2c: {  	s7 =	sld [smem:$0x3FB1]  }
0x2d: {  	s3 =	simm.s32 $0x108;
	s8 =	sld [smem:$0x3FB2]  }
0x2e: {  	s3 =	simm.s32 @!p0 $0x1082;
	s9 =	sld [smem:$0x3FB3]  }
0x2f: {  	lr =	sadd.s32 s0, s3;
	s0 =	sld [smem:$0x3FAA]  }
0x30: {  	s3 =	sld [smem:$0x3FAD]  }
0x31: {  	[smem:$0x3FB6] =	sst s10  }
0x32: {  	s10 =	sld [smem:$0x3FB4];
	_ =	sdelay $0x3  }
0x33: {  	p0 =	seq.s32 s10, $0x1;
	s10 =	sld [smem:$0x3FB6];
	_ =	sdelay $0x3  }
0x34: {  	[smem:$0x3FB6] =	sst s10  }
0x35: {  	s10 =	sld [smem:$0x3FB5];
	_ =	sdelay $0x3  }
0x36: {  	p1 =	seq.s32 s10, $0x1;
	s10 =	sld [smem:$0x3FB6];
	_ =	sdelay $0x3  }
0x37: {  	[smem:$0x3FB6] =	sst s10  }
0x38: {  	s10 =	sld [smem:$0x3FB7]  }
0x39: {  	_ = 	snop;
	(pc) =	sbr.ind lr, $3  }
0x3a: {  	_ = 	snop  }
0x3b: {  	_ = 	snop  }
0x3c: {  	p2 =	seq.s32 s10, $0x1;
	s10 =	sld [smem:$0x3FB6]  }
0x3d: {  	_ =	shalt  }
0x3e: {  	_ =	shalt  }
0x3f: {  	_ =	shalt  }
0x40: {  	_ =	shalt  }
0x41: {  	_ =	shalt  }
0x42: {  	_ =	shalt  }
0x43: {  	_ =	shalt  }
0x44: {  	_ =	shalt  }
0x45: {  	_ =	shalt  }
0x46: {  	_ =	shalt  }
0x47: {  	_ =	shalt  }
0x48: {  	_ =	shalt  }
0x49: {  	_ =	shalt  }
0x4a: {  	_ =	shalt  }
0x4b: {  	_ =	shalt  }
0x4c: {  	_ =	shalt  }
0x4d: {  	_ =	shalt  }
0x4e: {  	_ =	shalt  }
0x4f: {  	_ =	shalt  }
0x50: {  	_ =	shalt  }
0x51: {  	_ =	shalt  }
0x52: {  	_ =	shalt  }
0x53: {  	_ =	shalt  }
0x54: {  	_ =	shalt  }
0x55: {  	_ =	shalt  }
0x56: {  	_ =	shalt  }
0x57: {  	_ =	shalt  }
0x58: {  	_ =	shalt  }
0x59: {  	_ =	shalt  }
0x5a: {  	_ =	shalt  }
0x5b: {  	_ =	shalt  }
0x5c: {  	_ =	shalt  }
0x5d: {  	_ =	shalt  }
0x5e: {  	_ =	shalt  }
0x5f: {  	_ =	shalt  }
0x60: {  	_ =	shalt  }
0x61: {  	_ =	shalt  }
0x62: {  	_ =	shalt  }
0x63: {  	_ =	shalt  }
0x64: {  	_ =	shalt  }
0x65: {  	_ =	shalt  }
0x66: {  	_ =	shalt  }
0x67: {  	_ =	shalt  }
0x68: {  	_ =	shalt  }
0x69: {  	_ =	shalt  }
0x6a: {  	_ =	shalt  }
0x6b: {  	_ =	shalt  }
0x6c: {  	_ =	shalt  }
0x6d: {  	_ =	shalt  }
0x6e: {  	_ =	shalt  }
0x6f: {  	_ =	shalt  }
0x70: {  	_ =	shalt  }
0x71: {  	_ =	shalt  }
0x72: {  	_ =	shalt  }
0x73: {  	_ =	shalt  }
0x74: {  	_ =	shalt  }
0x75: {  	_ =	shalt  }
0x76: {  	_ =	shalt  }
0x77: {  	_ =	shalt  }
0x78: {  	_ =	shalt  }
0x79: {  	_ =	shalt  }
0x7a: {  	_ =	shalt  }
0x7b: {  	_ =	shalt  }
0x7c: {  	_ =	shalt  }
0x7d: {  	_ =	shalt  }
0x7e: {  	_ =	shalt  }
0x7f: {  	_ =	shalt  }
0x80: {  	_ =	shalt  }
0x81: {  	_ =	shalt  }
0x82: {  	_ =	shalt  }
0x83: {  	_ =	shalt  }
0x84: {  	_ =	shalt  }
0x85: {  	_ =	shalt  }
0x86: {  	_ =	shalt  }
0x87: {  	_ =	shalt  }
.Lfunc_end0:
.L_simem_size_0:
called_computation_lowered:
.L_overlay_start_0:
0x88: {  	s2 =	sld [smem:$0x3FD9]  }
0x89: {  	s3 =	sld [smem:$0x3FFE];
	_ =	sdelay $0x1  }
0x8a: {  	s1 =	srdreg.scid  }
0x8b: {  	s0 =	sand.u32 $0x1, s1  }
0x8c: {  	s17 =	sshll.u32 s0, $0xA;
	s2 =	sadd.s32 s3, s2  }
0x8d: {  	s2 =	sadd.s32 s2, s17  }
0x8e: {  	[smem:$0x3FC2] =	sst s2  }
0x8f: {  	_ = 	snop  }
0x90: {  	s2 =	sld [smem:$0x3FC5]  }
0x91: {  	s18 =	sld [smem:$0x3FD0];
	(tm) =	ssettm $0x1  }
0x92: {  	s4 =	sld [smem:$0x3FFB];
	_ =	sdelay $0x3  }
0x93: {  	_ =	strace s4  }
0x94: {  	s4 =	sld [smem:$0x3FFC];
	_ =	sdelay $0x3  }
0x95: {  	_ =	strace s4  }
0x96: {  	s4 =	sld [smem:$0x3FFD];
	_ =	sdelay $0x3  }
0x97: {  	_ =	strace s4  }
0x98: {  	_ =	strace $0x8FFFFFFF  }
0x99: {  	s19 =	sld [smem:$0x3FDB];
	_ =	sdelay $0x1  }
0x9a: {  	s5 =	simm.s32 $_scs_section_size  }
0x9b: {  	s6 =	simm.s32 $_size__tile_overlayer_lowered;
	s7 =	simm.s32 $_tile_overlayer_lowered  }
0x9c: {  	s22 =	simm.s32 $0x1BFF;
	s21 =	sshll.u32 s7, $0x1;
	s4 =	sadd.s32 s5, s19  }
0x9d: {  	s8 =	simm.s32 $0x0;
	s20 =	sshll.u32 s6, $0x1;
	s6 =	sadd.s32 s21, s4  }
0x9e: {  	[timem:s8], [sflag:s22] =	dma.local [hbm:s6], s20  }
0x9f: {  	_ =	swait.ge [sflag:s22], s20  }
0xa0: {  	s5 =	ssub.s32 $0x0, s20;
	[sflag:s22] =	ssyncset.done $0x0  }
0xa1: {  	[sflag:s22] =	ssyncadd.s32 s5;
	_ =	sdelay $0x1  }
0xa2: {  	s23 =	simm.s32 $0x1B8B  }
0xa3: {  	_ =	swait.ge [sflag:s23], $0x1  }
0xa4: {  	[sflag:s23] =	ssyncset.done $0x0  }
0xa5: {  	s25 =	simm.s32 $0x1B8E;
	s24 =	sld [smem:$0x3FFE];
	[sflag:s23] =	ssyncadd.s32 $0xFFFFFFFF  }
0xa6: {  	s26 =	simm.s32 $execute0_lowered;
	[smem:$0x3FD2] =	sst s25  }
0xa7: {  	s6 =	sshll.u32 s26, $0x1;
	_ =	strace $0x80000046;
	[dreg:$0x1] =	wrdreg $0xFFFFFFFF  }
0xa8: {  	s28 =	simm.s32 $_size_execute0_lowered;
	s4 =	sadd.s32 s4, s6;
	[dreg:$0x0] =	wrdreg $0x0  }
0xa9: {  	s6 =	sshll.u32 s28, $0x1;
	[dreg:$0x2] =	wrdreg s4  }
0xaa: {  	[dreg:$0x3] =	wrdreg s6  }
0xab: {  	[dreg:$0x4] =	wrdreg $0xC0  }
0xac: {  	_ =	task [dreg:s8], $0x5FFFF  }
0xad: {  	[dreg:$0x1] =	wrdreg $0xFFFFFFFF  }
0xae: {  	[dreg:$0x0] =	wrdreg $0x60  }
0xaf: {  	[dreg:$0x2] =	wrdreg s2  }
0xb0: {  	[dreg:$0x3] =	wrdreg s18  }
0xb1: {  	[dreg:$0x4] =	wrdreg s24  }
0xb2: {  	[dreg:$0x5] =	wrdreg $0x0  }
0xb3: {  	[dreg:$0x6] =	wrdreg $0x9  }
0xb4: {  	_ =	task.clear_ibuf [dreg:s8], $0x7FFFF;
	_ =	strace $0x90000046  }
0xb5: {  	s29 =	simm.s32 $0x9;
	_ =	strace $0x80000048  }
0xb6: {  	_ =	swait.ge [sflag:s29], $0x1  }
0xb7: {  	[sflag:s29] =	ssyncadd.s32 $0xFFFFFFFF  }
0xb8: {  	_ =	strace $0x90000048  }
0xb9: {  	_ =	sfence  }
0xba: {  	s30 =	sld [smem:$0x0];
	_ =	sdelay $0x2  }
0xbb: {  	s31 =	sshll.u32 s1, $0xD;
	s1 =	sshrl.u32 s1, $0x2  }
0xbc: {  	s3 =	sand.u32 $0x4000, s31;
	s1 =	sadd.s32 s1, s30  }
0xbd: {  	s0 =	sor.u32 s3, s0;
	s1 =	sshll.u32 s1, $0x11  }
0xbe: {  	s0 =	sor.u32 s1, s0  }
0xbf: {  	s0 =	sadd.s32 $0x8F2B, s0  }
0xc0: {  	[sflag:s0] =	ssyncadd.remote.s32 $0x1  }
0xc1: {  	_ =	sfence.sel $0xFFFF  }
0xc2: {  	[dreg:$0x0] =	wrdreg $0xFFFFFFFF;
	(pc) =	sbr.abs _section_cstart, $3  }
0xc3: {  	[dreg:$0x1] =	wrdreg $0xFFFFFFFF  }
0xc4: {  	_ =	task.clear_ibuf [dreg:s8], $0x2FFFF;
	_ =	strace $0x9FFFFFFF  }
0xc5: {  	(tm) =	ssettm $0x7FFFFFFF  }
tec
execute0_lowered:
.L_overlay_start_1:
0x0: {  	(tag) =	ssettag $0x1  }
0x1: {  	s0 =	rddreg [dreg:$0x0]  }
0x2: {  	s1 =	rddreg [dreg:$0x1];
	s2 =	srdreg.scid  }
0x3: {  	s13 =	stileid.u32;
	s4 =	rddreg [dreg:$0x2];
	s3 =	simm.s32 $0x0  }
0x4: {  	s15 =	simm.s32 $0x50;
	s16 =	simm.s32 $0x1A640;
	s17 =	simm.s32 $0x1  }
0x5: {  	s31 =	simm.s32 $0x19E40;
	s14 =	simm.s32 $0x1A1C0;
	s18 =	simm.s32 $0x1A240  }
0x6: {  	s19 =	simm.s32 $0x1A2C0;
	s20 =	simm.s32 $0x1A3C0;
	s6 =	smul.u32 $0x7D000, s13  }
0x7: {  	s21 =	simm.s32 $0x1A440;
	s22 =	simm.s32 $0x4;
	s8 =	smul.u32 $0x3E80, s13  }
0x8: {  	s5 =	sand.u32 $0x1, s2;
	s2 =	rddreg [dreg:$0x3];
	s12 =	smul.u32 $0x50000, s13  }
0x9: {  	s30 =	simm.s32 $0x19640;
	[smem:$0x7FF] =	sst s3;
	s24 =	smul.u32 $0x190000, s13  }
0xa: {  	s4 =	sadd.s32 $0xA00, s4;
	p0 =	sgt.u32 s13, $0xC;
	s7 =	smul.u32 $0x32C80, s5  }
0xb: {  	s9 =	ssub.s32 $0x2, s5;
	s10 =	smul.u32 $0x500000, s5;
	_ =	strace $0x80000047  }
0xc: {  	s5 =	smul.u32 $0x1900000, s5;
	s11 =	sshrl.u32 s9, $0x1;
	s6 =	sshrl.u32 s6, $0x2  }
0xd: {  	s9 =	ssub.s32 s9, s11;
	s7 =	sadd.s32 s8, s7;
	s6 =	sadd.s32 s6, s2  }
0xe: {  	s25 =	sadd.s32 s12, s10;
	s5 =	sadd.s32 s24, s5;
	s11 =	simm.s32 $0x1A040  }
0xf: {  	s12 =	simm.s32 $0x1A0C0;
	s24 =	simm.s32 $0x0;
	s0 =	sadd.s32 s0, s7  }
0x10: {  	s26 =	sshrl.u32 s25, $0x3;
	s10 =	sor.u32 $0x1000, s25;
	s8 =	sshrl.u32 s5, $0x3  }
0x11: {  	s9 =	smax.u32 s9, $0x1;
	s5 =	sor.u32 $0x2800, s5;
	[dreg:$0x5] =	wrdreg s0  }
0x12: {  	s7 =	sadd.s32 s1, s26;
	s28 =	sshrl.u32 s10, $0x3;
	[dreg:$0x7] =	wrdreg s9  }
0x13: {  	s8 =	sadd.s32 s8, s4;
	s0 =	sor.u32 $0x800, s25;
	s5 =	sshrl.u32 s5, $0x3  }
0x14: {  	s10 =	simm.s32 $0x1A140;
	[dreg:$0x6] =	wrdreg s7;
	s7 =	sadd.s32 s28, s1  }
0x15: {  	[dreg:$0x8] =	wrdreg s8;
	s0 =	sshrl.u32 s0, $0x3;
	s8 =	sshll.u32 @!p0 s13, $0x6  }
.Ltmp0:
0x16: {  	s29 =	sadd.s32 s5, s4;
	s4 =	simm.s32 $0x1CE40;
	(pc) =	sbr.rel .LBB2_1-.Ltmp0, $4  }
0x17: {  	s5 =	simm.s32 $0x19EC0;
	s13 =	simm.s32 $0x1A340;
	s9 =	sadd.s32 s0, s1  }
0x18: {  	[dreg:$0x9] =	wrdreg s29;
	s0 =	sor.u32 @!p0 $0x1C05, s8;
	s1 =	simm.s32 $0x2  }
0x19: {  	s8 =	simm.s32 $0x19FC0;
	[dreg:$0xa] =	wrdreg s0;
	s0 =	sshrl.u32 @!p0 s6, $0x3  }
0x1a: {  	s6 =	simm.s32 $0x19F40;
	[dreg:$0xb] =	wrdreg s0;
	s0 =	simm.s32 $0x3  }
.LBB2_4:
0x1b: {  	_ =	swait.ge [sflag:s22], $0x2800  }
0x1c: {  	s24 =	rddreg [dreg:$0xc]  }
0x1d: {  	s23 =	rddreg [dreg:$0x7];
	s24 =	sadd.s32 $0x1, s24  }
0x1e: {  	p1 =	sne.s32 s24, s23  }
.Ltmp1:
0x1f: {  	_ = 	snop;
	(pc) =	sbr.rel @!p1 .LBB2_5-.Ltmp1, $3  }
0x20: {  	_ =	sdelay $0x1  }
0x21: {  	[sflag:s22] =	ssyncset.done $0x0  }
0x22: {  	[sflag:s22] =	ssyncadd.s32 $0xFFFFD800  }
.LBB2_1:
0x23: {  	[dreg:$0xc] =	wrdreg s24  }
0x24: {  	s23 =	rddreg [dreg:$0x5]  }
0x25: {  	s24 =	rddreg [dreg:$0xa]  }
0x26: {  	s25 =	rddreg [dreg:$0xb]  }
0x27: {  	[spmem:s25], [sflag:s24] =	dma.local @!p0 [hbm:s23], $0x3E80  }
0x28: {  	s23 =	simm.s32 @!p0 $0x5  }
0x29: {  	_ =	swait.ge @!p0 [sflag:s23], $0x3E80  }
0x2a: {  	[sflag:s23] =	ssyncset.done @!p0 $0x0  }
0x2b: {  	[sflag:s23] =	ssyncadd.s32 @!p0 $0xFFFFC180  }
0x2c: {  	[bflag:$0x0] =	sbarrier.arrive $0xFFFF  }
0x2d: {  	s28 =	simm.s32 $0x19640;
	s29 =	simm.s32 $0x5;
	s26 =	rddreg [dreg:$0x6]  }
0x2e: {  	[tilespmem:s28], [sflag:$0x5] =	stream.linear.gather [hbm4b:s26+s3], $0x680, $0x38;
	[tilespmem:$0x1F640] =	vst v63  }
0x2f: {  	_ =	swait.ge [sflag:s29], $0x680  }
0x30: {  	[sflag:s29] =	ssyncset.done $0x0;
	s23 =	rddreg [dreg:$0x9]  }
0x31: {  	s25 =	simm.s32 $0x0;
	s24 =	rddreg [dreg:$0x8];
	[sflag:s29] =	ssyncadd.s32 $0xFFFFF980  }
0x32: {  	[tilespmem:s16], [sflag:$0x1] =	stream.indirect.gather [spmem:s2], $0x80, s28, s15, $0xb8;
	[tilespmem:$0x1F640] =	vst v63  }
.LBB2_2:
0x33: {  	_ =	swait.ge [sflag:s17], $0x2800  }
0x34: {  	[sflag:s17] =	ssyncset.done $0x0  }
0x35: {  	s26 =	simm.s32 $0x196C0;
	[sflag:s17] =	ssyncadd.s32 $0xFFFFD800  }
0x36: {  	[tilespmem:s16], [sflag:$0x2] =	stream.indirect.gather.add.f32 [spmem:s2], $0x80, s26, s15, $0xb8;
	[tilespmem:$0x1F640] =	vst v63  }
0x37: {  	s28 =	simm.s32 $0x19740  }
0x38: {  	[tilespmem:s16], [sflag:$0x2] =	stream.indirect.gather.add.f32 [spmem:s2], $0x80, s28, s15, $0xb8;
	[tilespmem:$0x1F640] =	vst v63  }
0x39: {  	s29 =	simm.s32 $0x197C0  }
0x3a: {  	[tilespmem:s16], [sflag:$0x2] =	stream.indirect.gather.add.f32 [spmem:s2], $0x80, s29, s15, $0xb8;
	[tilespmem:$0x1F640] =	vst v63  }
0x3b: {  	s28 =	simm.s32 $0x19840  }
0x3c: {  	[tilespmem:s16], [sflag:$0x2] =	stream.indirect.gather.add.f32 [spmem:s2], $0x80, s28, s15, $0xb8;
	[tilespmem:$0x1F640] =	vst v63  }
0x3d: {  	s29 =	simm.s32 $0x198C0  }
0x3e: {  	[tilespmem:s16], [sflag:$0x2] =	stream.indirect.gather.add.f32 [spmem:s2], $0x80, s29, s15, $0xb8;
	[tilespmem:$0x1F640] =	vst v63  }
0x3f: {  	s28 =	simm.s32 $0x19940  }
0x40: {  	[tilespmem:s16], [sflag:$0x2] =	stream.indirect.gather.add.f32 [spmem:s2], $0x80, s28, s15, $0xb8;
	[tilespmem:$0x1F640] =	vst v63  }
0x41: {  	s29 =	simm.s32 $0x199C0  }
0x42: {  	[tilespmem:s16], [sflag:$0x2] =	stream.indirect.gather.add.f32 [spmem:s2], $0x80, s29, s15, $0xb8;
	[tilespmem:$0x1F640] =	vst v63  }
0x43: {  	s28 =	simm.s32 $0x19A40  }
0x44: {  	[tilespmem:s16], [sflag:$0x2] =	stream.indirect.gather.add.f32 [spmem:s2], $0x80, s28, s15, $0xb8;
	[tilespmem:$0x1F640] =	vst v63  }
0x45: {  	s29 =	simm.s32 $0x19AC0  }
0x46: {  	[tilespmem:s16], [sflag:$0x2] =	stream.indirect.gather.add.f32 [spmem:s2], $0x80, s29, s15, $0xb8;
	[tilespmem:$0x1F640] =	vst v63  }
0x47: {  	s28 =	simm.s32 $0x19B40  }
0x48: {  	[tilespmem:s16], [sflag:$0x2] =	stream.indirect.gather.add.f32 [spmem:s2], $0x80, s28, s15, $0xb8;
	[tilespmem:$0x1F640] =	vst v63  }
0x49: {  	s29 =	simm.s32 $0x19BC0  }
0x4a: {  	[tilespmem:s16], [sflag:$0x2] =	stream.indirect.gather.add.f32 [spmem:s2], $0x80, s29, s15, $0xb8;
	[tilespmem:$0x1F640] =	vst v63  }
0x4b: {  	p1 =	seq.s32 s25, $0x0;
	s28 =	simm.s32 $0x19C40  }
0x4c: {  	[tilespmem:s16], [sflag:$0x2] =	stream.indirect.gather.add.f32 [spmem:s2], $0x80, s28, s15, $0xb8;
	[tilespmem:$0x1F640] =	vst v63  }
0x4d: {  	s26 =	simm.s32 @!p1 $0x4;
	s29 =	sadd.s32 s25, s9  }
0x4e: {  	[tilespmem:s31], [sflag:$0x3] =	stream.linear.gather [hbm4b:s29+s3], $0x680, $0x38;
	[tilespmem:$0x1F640] =	vst v63  }
0x4f: {  	_ =	swait.ge @!p1 [sflag:s26], $0x2800  }
0x50: {  	[sflag:s26] =	ssyncset.done @!p1 $0x0  }
0x51: {  	[sflag:s26] =	ssyncadd.s32 @!p1 $0xFFFFD800  }
0x52: {  	_ =	swait.ge [sflag:s1], $0x2800  }
0x53: {  	[sflag:s1] =	ssyncset.done $0x0  }
0x54: {  	[sflag:s1] =	ssyncadd.s32 $0xFFFFD800  }
0x55: {  	_ =	swait.ge [sflag:s1], $0x2800  }
0x56: {  	[sflag:s1] =	ssyncset.done $0x0  }
0x57: {  	[sflag:s1] =	ssyncadd.s32 $0xFFFFD800  }
0x58: {  	_ =	swait.ge [sflag:s1], $0x2800  }
0x59: {  	[sflag:s1] =	ssyncset.done $0x0  }
0x5a: {  	[sflag:s1] =	ssyncadd.s32 $0xFFFFD800  }
0x5b: {  	_ =	swait.ge [sflag:s1], $0x2800  }
0x5c: {  	[sflag:s1] =	ssyncset.done $0x0  }
0x5d: {  	[sflag:s1] =	ssyncadd.s32 $0xFFFFD800  }
0x5e: {  	_ =	swait.ge [sflag:s1], $0x2800  }
0x5f: {  	[sflag:s1] =	ssyncset.done $0x0  }
0x60: {  	[sflag:s1] =	ssyncadd.s32 $0xFFFFD800  }
0x61: {  	_ =	swait.ge [sflag:s1], $0x2800  }
0x62: {  	[sflag:s1] =	ssyncset.done $0x0  }
0x63: {  	[sflag:s1] =	ssyncadd.s32 $0xFFFFD800  }
0x64: {  	_ =	swait.ge [sflag:s1], $0x2800  }
0x65: {  	[sflag:s1] =	ssyncset.done $0x0  }
0x66: {  	[sflag:s1] =	ssyncadd.s32 $0xFFFFD800  }
0x67: {  	_ =	swait.ge [sflag:s1], $0x2800  }
0x68: {  	[sflag:s1] =	ssyncset.done $0x0  }
0x69: {  	[sflag:s1] =	ssyncadd.s32 $0xFFFFD800  }
0x6a: {  	_ =	swait.ge [sflag:s1], $0x2800  }
0x6b: {  	[sflag:s1] =	ssyncset.done $0x0  }
0x6c: {  	[sflag:s1] =	ssyncadd.s32 $0xFFFFD800  }
0x6d: {  	_ =	swait.ge [sflag:s1], $0x2800  }
0x6e: {  	[sflag:s1] =	ssyncset.done $0x0  }
0x6f: {  	[sflag:s1] =	ssyncadd.s32 $0xFFFFD800  }
0x70: {  	_ =	swait.ge [sflag:s1], $0x2800  }
0x71: {  	[sflag:s1] =	ssyncset.done $0x0  }
0x72: {  	[sflag:s1] =	ssyncadd.s32 $0xFFFFD800  }
0x73: {  	_ =	swait.ge [sflag:s1], $0x2800  }
0x74: {  	[sflag:s1] =	ssyncset.done $0x0  }
0x75: {  	[sflag:s1] =	ssyncadd.s32 $0xFFFFD800  }
0x76: {  	[hbm4b:s24+s3] =	stream.linear.scatter [tilespmem:s16], [sflag:$0x4], $0x2800, $0x38;
	[tilespmem:$0x1F640] =	vst v63  }
0x77: {  	_ =	swait.ge [sflag:s0], $0x680  }
0x78: {  	[sflag:s0] =	ssyncset.done $0x0  }
0x79: {  	[sflag:s0] =	ssyncadd.s32 $0xFFFFF980  }
0x7a: {  	[tilespmem:s4], [sflag:$0x1] =	stream.indirect.gather [spmem:s2], $0x80, s31, s15, $0xb8;
	[tilespmem:$0x1F640] =	vst v63  }
0x7b: {  	_ =	swait.ge [sflag:s17], $0x2800  }
0x7c: {  	[sflag:s17] =	ssyncset.done $0x0  }
0x7d: {  	[sflag:s17] =	ssyncadd.s32 $0xFFFFD800  }
0x7e: {  	[tilespmem:s4], [sflag:$0x2] =	stream.indirect.gather.add.f32 [spmem:s2], $0x80, s5, s15, $0xb8;
	[tilespmem:$0x1F640] =	vst v63  }
0x7f: {  	_ = 	snop  }
0x80: {  	[tilespmem:s4], [sflag:$0x2] =	stream.indirect.gather.add.f32 [spmem:s2], $0x80, s6, s15, $0xb8;
	[tilespmem:$0x1F640] =	vst v63  }
0x81: {  	_ = 	snop  }
0x82: {  	[tilespmem:s4], [sflag:$0x2] =	stream.indirect.gather.add.f32 [spmem:s2], $0x80, s8, s15, $0xb8;
	[tilespmem:$0x1F640] =	vst v63  }
0x83: {  	_ = 	snop  }
0x84: {  	[tilespmem:s4], [sflag:$0x2] =	stream.indirect.gather.add.f32 [spmem:s2], $0x80, s11, s15, $0xb8;
	[tilespmem:$0x1F640] =	vst v63  }
0x85: {  	_ = 	snop  }
0x86: {  	[tilespmem:s4], [sflag:$0x2] =	stream.indirect.gather.add.f32 [spmem:s2], $0x80, s12, s15, $0xb8;
	[tilespmem:$0x1F640] =	vst v63  }
0x87: {  	_ = 	snop  }
0x88: {  	[tilespmem:s4], [sflag:$0x2] =	stream.indirect.gather.add.f32 [spmem:s2], $0x80, s10, s15, $0xb8;
	[tilespmem:$0x1F640] =	vst v63  }
0x89: {  	_ = 	snop  }
0x8a: {  	[tilespmem:s4], [sflag:$0x2] =	stream.indirect.gather.add.f32 [spmem:s2], $0x80, s14, s15, $0xb8;
	[tilespmem:$0x1F640] =	vst v63  }
0x8b: {  	_ = 	snop  }
0x8c: {  	[tilespmem:s4], [sflag:$0x2] =	stream.indirect.gather.add.f32 [spmem:s2], $0x80, s18, s15, $0xb8;
	[tilespmem:$0x1F640] =	vst v63  }
0x8d: {  	_ = 	snop  }
0x8e: {  	[tilespmem:s4], [sflag:$0x2] =	stream.indirect.gather.add.f32 [spmem:s2], $0x80, s19, s15, $0xb8;
	[tilespmem:$0x1F640] =	vst v63  }
0x8f: {  	_ = 	snop  }
0x90: {  	[tilespmem:s4], [sflag:$0x2] =	stream.indirect.gather.add.f32 [spmem:s2], $0x80, s13, s15, $0xb8;
	[tilespmem:$0x1F640] =	vst v63  }
0x91: {  	_ = 	snop  }
0x92: {  	[tilespmem:s4], [sflag:$0x2] =	stream.indirect.gather.add.f32 [spmem:s2], $0x80, s20, s15, $0xb8;
	[tilespmem:$0x1F640] =	vst v63  }
0x93: {  	p1 =	seq.s32 s25, $0x9E00  }
0x94: {  	[tilespmem:s4], [sflag:$0x2] =	stream.indirect.gather.add.f32 [spmem:s2], $0x80, s21, s15, $0xb8;
	[tilespmem:$0x1F640] =	vst v63  }
0x95: {  	s26 =	sadd.s32 @!p1 s25, s7;
	s28 =	simm.s32 @!p1 $0x0;
	s29 =	simm.s32 @!p1 $0x19640  }
0x96: {  	[tilespmem:s29], [sflag:$0x3] =	stream.linear.gather @!p1 [hbm4b:s26+s28], $0x680, $0x38;
	[tilespmem:$0x1F640] =	vst v63  }
0x97: {  	_ =	swait.ge [sflag:s22], $0x2800  }
0x98: {  	[sflag:s22] =	ssyncset.done $0x0  }
0x99: {  	[sflag:s22] =	ssyncadd.s32 $0xFFFFD800  }
0x9a: {  	_ =	swait.ge [sflag:s1], $0x2800  }
0x9b: {  	[sflag:s1] =	ssyncset.done $0x0  }
0x9c: {  	[sflag:s1] =	ssyncadd.s32 $0xFFFFD800  }
0x9d: {  	_ =	swait.ge [sflag:s1], $0x2800  }
0x9e: {  	[sflag:s1] =	ssyncset.done $0x0  }
0x9f: {  	[sflag:s1] =	ssyncadd.s32 $0xFFFFD800  }
0xa0: {  	_ =	swait.ge [sflag:s1], $0x2800  }
0xa1: {  	[sflag:s1] =	ssyncset.done $0x0  }
0xa2: {  	[sflag:s1] =	ssyncadd.s32 $0xFFFFD800  }
0xa3: {  	_ =	swait.ge [sflag:s1], $0x2800  }
0xa4: {  	[sflag:s1] =	ssyncset.done $0x0  }
0xa5: {  	[sflag:s1] =	ssyncadd.s32 $0xFFFFD800  }
0xa6: {  	_ =	swait.ge [sflag:s1], $0x2800  }
0xa7: {  	[sflag:s1] =	ssyncset.done $0x0  }
0xa8: {  	[sflag:s1] =	ssyncadd.s32 $0xFFFFD800  }
0xa9: {  	_ =	swait.ge [sflag:s1], $0x2800  }
0xaa: {  	[sflag:s1] =	ssyncset.done $0x0  }
0xab: {  	[sflag:s1] =	ssyncadd.s32 $0xFFFFD800  }
0xac: {  	_ =	swait.ge [sflag:s1], $0x2800  }
0xad: {  	[sflag:s1] =	ssyncset.done $0x0  }
0xae: {  	[sflag:s1] =	ssyncadd.s32 $0xFFFFD800  }
0xaf: {  	_ =	swait.ge [sflag:s1], $0x2800  }
0xb0: {  	[sflag:s1] =	ssyncset.done $0x0  }
0xb1: {  	[sflag:s1] =	ssyncadd.s32 $0xFFFFD800  }
0xb2: {  	_ =	swait.ge [sflag:s1], $0x2800  }
0xb3: {  	[sflag:s1] =	ssyncset.done $0x0  }
0xb4: {  	[sflag:s1] =	ssyncadd.s32 $0xFFFFD800  }
0xb5: {  	_ =	swait.ge [sflag:s1], $0x2800  }
0xb6: {  	[sflag:s1] =	ssyncset.done $0x0  }
0xb7: {  	[sflag:s1] =	ssyncadd.s32 $0xFFFFD800  }
0xb8: {  	_ =	swait.ge [sflag:s1], $0x2800  }
0xb9: {  	[sflag:s1] =	ssyncset.done $0x0  }
.Ltmp2:
0xba: {  	[sflag:s1] =	ssyncadd.s32 $0xFFFFD800;
	(pc) =	sbr.rel @p1 .LBB2_4-.Ltmp2, $4  }
0xbb: {  	_ =	swait.ge [sflag:s1], $0x2800  }
0xbc: {  	[sflag:s1] =	ssyncset.done $0x0  }
0xbd: {  	[sflag:s1] =	ssyncadd.s32 $0xFFFFD800  }
0xbe: {  	[hbm4b:s23+s3] =	stream.linear.scatter [tilespmem:s4], [sflag:$0x4], $0x2800, $0x38;
	[tilespmem:$0x1F640] =	vst v63  }
.Ltmp3:
0xbf: {  	(pc) =	sbr.rel .LBB2_2-.Ltmp3, $4  }
0xc0: {  	_ =	swait.ge [sflag:s0], $0x680  }
0xc1: {  	s25 =	sadd.s32 $0x200, s25;
	[sflag:s0] =	ssyncset.done $0x0  }
0xc2: {  	s24 =	sadd.s32 $0xA00, s24;
	s23 =	sadd.s32 $0xA00, s23;
	[sflag:s0] =	ssyncadd.s32 $0xFFFFF980  }
0xc3: {  	[tilespmem:s16], [sflag:$0x1] =	stream.indirect.gather [spmem:s2], $0x80, s30, s15, $0xb8;
	[tilespmem:$0x1F640] =	vst v63  }
.LBB2_5:
0xc4: {  	_ =	sfence.sel $0x180000  }
0xc5: {  	[bflag:$0x0] =	sbarrier.arrive $0xFFFF  }
0xc6: {  	_ =	strace $0x90000047  }
0xc7: {  	s0 =	stileid.u32;
	[bflag:$0x2] =	sbarrier.arrive $0xFFFF  }
0xc8: {  	p0 =	sne.s32 s0, $0x0;
	s0 =	rddreg [dreg:$0x4]  }
0xc9: {  	s0 =	sadd.s32 @!p0 $0x100000, s0  }
0xca: {  	[sflag:s0] =	ssyncadd.tile.s32 @!p0 $0x1;
	_ =	shalt  }
.Lfunc_end2:
_tile_overlayer_lowered:
.L_overlay_start_2:
0xcb: {  	(tag) =	ssettag $0x2  }
0xcc: {  	s0 =	rddreg [dreg:$0x0];
	s2 =	stileid.u32  }
0xcd: {  	s1 =	rddreg [dreg:$0x1];
	p0 =	sne.s32 s2, $0x0  }
0xce: {  	s3 =	rddreg [dreg:$0x2];
	[bflag:$0x3] =	sbarrier.arrive $0xFFFF;
	s2 =	simm.s32 @!p0 $0x1C05  }
0xcf: {  	[timem:s3], [sflag:s2] =	dma.local @!p0 [hbm:s0], s1  }
0xd0: {  	s0 =	simm.s32 @!p0 $0x5  }
0xd1: {  	_ =	swait.ge @!p0 [sflag:s0], s1  }
0xd2: {  	s1 =	ssub.s32 @!p0 $0x0, s1;
	[sflag:s0] =	ssyncset.done @!p0 $0x0  }
0xd3: {  	[sflag:s0] =	ssyncadd.s32 @!p0 s1  }
0xd4: {  	[bflag:$0x3] =	sbarrier.arrive $0xFFFF  }
0xd5: {  	_ =	shalt  }

</sc_bundles>
